<compile_context>
chip_gen: v7x
topology: tpu7x:2x2x1
jax: 0.10.2.dev20260603
libtpu: 0.0.44.dev20260713+nightly
codegen_flags: <defaults>
</compile_context>

<pallas_src>
import functools

import jax
import jax.numpy as jnp
from jax import lax
from jax.experimental import pallas as pl
from jax.experimental.pallas import tpu as pltpu
from jax.experimental.pallas import tpu_sc as plsc

_VOCAB = 1000
_VPAD = 1024
_B, _L = 1024, 50
_N = _B * _L

_info = plsc.get_sparse_core_info()
_NC = _info.num_cores
_NS = _info.num_subcores
_NW = _NC * _NS
_BPW = _B // _NW
_IPW = _BPW * _L
_CH = 16
_NH = _BPW // _CH

_mesh = plsc.VectorSubcoreMesh(core_axis_name="c", subcore_axis_name="s")


@functools.partial(
    pl.kernel,
    mesh=_mesh,
    out_type=jax.ShapeDtypeStruct((_L * _B, 8, 128), jnp.float32),
    scratch_types=[
        pltpu.VMEM((_IPW,), jnp.int32),
        [pltpu.VMEM((_BPW, 8, 128), jnp.float32)] * 2,
        [pltpu.VMEM((_BPW,), jnp.int32)] * 2,
        [pltpu.SemaphoreType.DMA] * 2,
        [pltpu.SemaphoreType.DMA] * 2,
    ],
    compiler_params=pltpu.CompilerParams(needs_layout_passes=False),
)
def _gather_rows(idx_hbm, table_hbm, out_hbm, idx_v, bufs, ilst, semg, semw):
    wid = lax.axis_index("s") * _NC + lax.axis_index("c")
    b0 = wid * _BPW
    pltpu.sync_copy(idx_hbm.at[pl.ds(wid * _IPW, _IPW)], idx_v)
    lanes = lax.iota(jnp.int32, 16)

    def fill_idx(l, il):
        for h in (0, 1):
            offs = (h * 16 + lanes) * _L + l
            il[pl.ds(h * 16, 16)] = plsc.load_gather(idx_v, [offs])

    def gather(il, buf, sem):
        return pltpu.make_async_copy(table_hbm.at[il], buf, sem)

    def write(l, buf, sem):
        return pltpu.make_async_copy(
            buf, out_hbm.at[pl.ds(l * _B + b0, _BPW)], sem)

    fill_idx(0, ilst[0])
    gather(ilst[0], bufs[0], semg[0]).start()

    def body(l, carry):
        for p in (0, 1):
            gather(ilst[p], bufs[p], semg[p]).wait()

            @pl.when(l + p >= 1)
            def _():
                write(l + p - 1, bufs[1 - p], semw[1 - p]).wait()

            @pl.when(l + p + 1 < _L)
            def _():
                fill_idx(l + p + 1, ilst[1 - p])
                gather(ilst[1 - p], bufs[1 - p], semg[1 - p]).start()

            write(l + p, bufs[p], semw[p]).start()
        return carry

    lax.fori_loop(0, _L // 2, lambda i, c: body(i * 2, c), 0)
    write(_L - 1, bufs[1], semw[1]).wait()


def _transpose_body(x_ref, o_ref):
    x = x_ref[...]
    y = x.reshape(_B, _VPAD)
    z = y.T
    o_ref[...] = z[jnp.newaxis, :_VOCAB, :]


_transpose = pl.pallas_call(
    _transpose_body,
    grid=(_L,),
    in_specs=[pl.BlockSpec((_B, 8, 128), lambda l: (l, 0, 0))],
    out_specs=pl.BlockSpec((1, _VOCAB, _B), lambda l: (l, 0, 0)),
    out_shape=jax.ShapeDtypeStruct((_L, _VOCAB, _B), jnp.float32),
)


def kernel(idx, logits):
    table = jnp.pad(logits, ((0, 0), (0, _VPAD - _VOCAB)))
    rows = _gather_rows(idx.reshape(_N).astype(jnp.int32),
                        table.reshape(_VOCAB, 8, 128))
    out_t = _transpose(rows)
    return jnp.transpose(out_t, (2, 0, 1))

# --- scband reference (transcript-rebuilt; emitter-appended) ---
"""Pipeline reference for scband-bigram-13237089206750 (READ-ONLY COPY).

The authoritative reference and input builder live on the scoring server;
editing this copy changes nothing except your own understanding.
"""

import jax, jax.numpy as jnp
import numpy as np

VOCAB = 1000
B, L = 1024, 50

def setup_inputs(seed: int = 0) -> dict:
    key = jax.random.key(seed)
    k_idx, k_tab = jax.random.split(key)
    idx = jax.random.randint(k_idx, (B, L), 0, VOCAB)
    # nn.Parameter initialized to zeros in the torch module; use small random
    # values so the lookup output is nontrivial for numerical comparison.
    logits = jax.random.normal(k_tab, (VOCAB, VOCAB), dtype=jnp.float32) * 0.02
    return {"idx": idx, "logits": logits}

def reference(idx, logits):
    # Bigram.forward with targets=None: logits = self.logits[idx]; loss = None
    out = jnp.take(logits, idx, axis=0)  # [B, L, VOCAB]
    return out

if __name__ == "__main__":
    import jax
    _d = setup_inputs()
    print(jax.jit(kernel)(*tuple(_d.values())))

</pallas_src>

<mosaic_0001>
#map = affine_map<(d0, d1) -> (0)>
#map1 = affine_map<(d0, d1) -> (0, 0, 0)>
module attributes {stable_mosaic.version = 14 : i64} {
  func.func @_gather_rows(%arg0: i32, %arg1: i32, %arg2: memref<51200xi32, #tpu.memory_space<hbm>>, %arg3: memref<1000x8x128xf32, #tpu.memory_space<hbm>>, %arg4: memref<51200x8x128xf32, #tpu.memory_space<hbm>>, %arg5: memref<1600xi32, #tpu.memory_space<vmem>>, %arg6: memref<32x8x128xf32, #tpu.memory_space<vmem>>, %arg7: memref<32x8x128xf32, #tpu.memory_space<vmem>>, %arg8: memref<32xi32, #tpu.memory_space<vmem>>, %arg9: memref<32xi32, #tpu.memory_space<vmem>>, %arg10: memref<!tpu.dma_semaphore, #tpu.memory_space<semaphore_mem>>, %arg11: memref<!tpu.dma_semaphore, #tpu.memory_space<semaphore_mem>>, %arg12: memref<!tpu.dma_semaphore, #tpu.memory_space<semaphore_mem>>, %arg13: memref<!tpu.dma_semaphore, #tpu.memory_space<semaphore_mem>>) attributes {dimension_semantics = [#tpu.dimension_semantics<core_parallel>, #tpu.dimension_semantics<subcore_parallel>], iteration_bounds = array<i64: 2, 16>, scalar_prefetch = 0 : i64, scratch_operands = 9 : i64, tpu.core_type = #tpu.core_type<sc_vector_subcore>, window_params = [{transform_indices = #map}, {transform_indices = #map1}, {transform_indices = #map1}]} {
    %mul3A = arith.constant 2 : i32
    %mul3A_0 = arith.muli %arg1, %mul3A : i32
    %add3A = arith.addi %mul3A_0, %arg0 : i32
    %mul3A_1 = arith.constant 32 : i32
    %mul3A_2 = arith.muli %add3A, %mul3A_1 : i32
    %mul3A_3 = arith.constant 1600 : i32
    %mul3A_4 = arith.muli %add3A, %mul3A_3 : i32
    "tpu.region"() ({
      %run_scoped3A = tpu.sem_alloc : memref<!tpu.dma_semaphore, #tpu.memory_space<semaphore_mem>>
      %dma_start3A_42 = tpu.memref_slice %arg2[%mul3A_4] : memref<51200xi32, #tpu.memory_space<hbm>> -> memref<1600xi32, #tpu.memory_space<hbm>>
      %dma_start3A_43 = tpu.memref_slice %arg2[%mul3A_4] : memref<51200xi32, #tpu.memory_space<hbm>> -> memref<1600xi32, #tpu.memory_space<hbm>>
      tpu.enqueue_dma source(%dma_start3A_43 : memref<1600xi32, #tpu.memory_space<hbm>>) target(%arg5 : memref<1600xi32, #tpu.memory_space<vmem>>) target_semaphore(%run_scoped3A : memref<!tpu.dma_semaphore, #tpu.memory_space<semaphore_mem>>)
      %dma_wait3A_44 = tpu.memref_slice %arg2[%mul3A_4] : memref<51200xi32, #tpu.memory_space<hbm>> -> memref<1600xi32, #tpu.memory_space<hbm>>
      %dma_wait3A_45 = tpu.memref_slice %arg2[%mul3A_4] : memref<51200xi32, #tpu.memory_space<hbm>> -> memref<1600xi32, #tpu.memory_space<hbm>>
      tpu.wait_dma2 semaphore(%run_scoped3A : memref<!tpu.dma_semaphore, #tpu.memory_space<semaphore_mem>>) src(%dma_wait3A_45 : memref<1600xi32, #tpu.memory_space<hbm>>) dst(%arg5 : memref<1600xi32, #tpu.memory_space<vmem>>)
      tpu.yield
    }) : () -> ()
    %iota3A = tpu.iota {dimensions = array<i32: 0>} : vector<16xi32>
    %add3A_5 = arith.constant 0 : i32
    %add3A_6 = vector.broadcast %add3A_5 : i32 to vector<16xi32>
    %add3A_7 = arith.addi %add3A_6, %iota3A : vector<16xi32>
    %mul3A_8 = arith.constant 50 : i32
    %mul3A_9 = vector.broadcast %mul3A_8 : i32 to vector<16xi32>
    %mul3A_10 = arith.muli %add3A_7, %mul3A_9 : vector<16xi32>
    %add3A_11 = arith.constant 0 : i32
    %add3A_12 = vector.broadcast %add3A_11 : i32 to vector<16xi32>
    %add3A_13 = arith.addi %mul3A_10, %add3A_12 : vector<16xi32>
    %gather3A = tpu.vector_load_idx %arg5[%add3A_13] : memref<1600xi32, #tpu.memory_space<vmem>>[vector<16xi32>], vector<16xi32>,
    %swap3A = arith.constant 0 : index
    %swap3A_14 = tpu.vector_load %arg8[%swap3A] {strides = array<i32>} : memref<32xi32, #tpu.memory_space<vmem>>, vector<16xi32>,
    tpu.vector_store %arg8[%swap3A], %gather3A {strides = array<i32>} : memref<32xi32, #tpu.memory_space<vmem>>, vector<16xi32>,
    %add3A_15 = arith.constant 16 : i32
    %add3A_16 = vector.broadcast %add3A_15 : i32 to vector<16xi32>
    %add3A_17 = arith.addi %add3A_16, %iota3A : vector<16xi32>
    %mul3A_18 = arith.constant 50 : i32
    %mul3A_19 = vector.broadcast %mul3A_18 : i32 to vector<16xi32>
    %mul3A_20 = arith.muli %add3A_17, %mul3A_19 : vector<16xi32>
    %add3A_21 = arith.constant 0 : i32
    %add3A_22 = vector.broadcast %add3A_21 : i32 to vector<16xi32>
    %add3A_23 = arith.addi %mul3A_20, %add3A_22 : vector<16xi32>
    %gather3A_24 = tpu.vector_load_idx %arg5[%add3A_23] : memref<1600xi32, #tpu.memory_space<vmem>>[vector<16xi32>], vector<16xi32>,
    %swap3A_25 = arith.constant 16 : index
    %swap3A_26 = tpu.vector_load %arg8[%swap3A_25] {strides = array<i32>} : memref<32xi32, #tpu.memory_space<vmem>>, vector<16xi32>,
    tpu.vector_store %arg8[%swap3A_25], %gather3A_24 {strides = array<i32>} : memref<32xi32, #tpu.memory_space<vmem>>, vector<16xi32>,
    %dma_start3A = arith.constant 0 : i32
    %dma_start3A_27 = arith.constant 0 : i32
    %dma_start3A_28 = arith.constant 0 : i32
    %dma_start3A_29 = tpu.memref_slice %arg3[%dma_start3A, %dma_start3A_27, %dma_start3A_28] : memref<1000x8x128xf32, #tpu.memory_space<hbm>> -> memref<1000x8x128xf32, #tpu.memory_space<hbm>>
    tpu.enqueue_indirect_dma source(%dma_start3A_29 : memref<1000x8x128xf32, #tpu.memory_space<hbm>>) target(%arg6 : memref<32x8x128xf32, #tpu.memory_space<vmem>>) offsets(%arg8 : memref<32xi32, #tpu.memory_space<vmem>>) semaphore(%arg10 : memref<!tpu.dma_semaphore, #tpu.memory_space<semaphore_mem>>)
    %scan3A = arith.constant 0 : i32
    %scan3A_30 = arith.constant 0 : i32
    %scan3A_31 = arith.constant 25 : i32
    %scan3A_32 = arith.addi %scan3A_30, %scan3A_31 : i32
    %scan3A_33 = arith.constant 1 : i32
    scf.for %scan3A_42 = %scan3A_30 to %scan3A_32 step %scan3A_33  : i32 {
      %mul3A_43 = arith.constant 2 : i32
      %mul3A_44 = arith.muli %scan3A_42, %mul3A_43 : i32
      %dma_wait3A_45 = arith.constant 0 : i32
      %dma_wait3A_46 = arith.constant 0 : i32
      %dma_wait3A_47 = arith.constant 0 : i32
      %dma_wait3A_48 = tpu.memref_slice %arg3[%dma_wait3A_45, %dma_wait3A_46, %dma_wait3A_47] : memref<1000x8x128xf32, #tpu.memory_space<hbm>> -> memref<1000x8x128xf32, #tpu.memory_space<hbm>>
      tpu.wait_indirect_dma semaphore(%arg10 : memref<!tpu.dma_semaphore, #tpu.memory_space<semaphore_mem>>) src(%dma_wait3A_48 : memref<1000x8x128xf32, #tpu.memory_space<hbm>>) dst(%arg6 : memref<32x8x128xf32, #tpu.memory_space<vmem>>)
      %add3A_49 = arith.constant 0 : i32
      %add3A_50 = arith.addi %mul3A_44, %add3A_49 : i32
      %ge3A = arith.constant 1 : i32
      %ge3A_51 = arith.cmpi sge, %add3A_50, %ge3A : i32
      %convert_element_type3A = arith.extui %ge3A_51 : i1 to i32
      %cond3A = arith.constant 0 : i32
      %cond3A_52 = arith.cmpi ne, %convert_element_type3A, %cond3A : i32
      scf.if %cond3A_52 {
        %add3A_103 = arith.constant 0 : i32
        %add3A_104 = arith.addi %mul3A_44, %add3A_103 : i32
        %sub3A = arith.constant 1 : i32
        %sub3A_105 = arith.subi %add3A_104, %sub3A : i32
        %mul3A_106 = arith.constant 1024 : i32
        %mul3A_107 = arith.muli %sub3A_105, %mul3A_106 : i32
        %add3A_108 = arith.addi %mul3A_107, %mul3A_2 : i32
        %dma_wait3A_109 = arith.constant 0 : i32
        %dma_wait3A_110 = arith.constant 0 : i32
        %dma_wait3A_111 = tpu.memref_slice %arg4[%add3A_108, %dma_wait3A_109, %dma_wait3A_110] : memref<51200x8x128xf32, #tpu.memory_space<hbm>> -> memref<32x8x128xf32, #tpu.memory_space<hbm>>
        %dma_wait3A_112 = arith.constant 0 : i32
        %dma_wait3A_113 = arith.constant 0 : i32
        %dma_wait3A_114 = tpu.memref_slice %arg4[%add3A_108, %dma_wait3A_112, %dma_wait3A_113] : memref<51200x8x128xf32, #tpu.memory_space<hbm>> -> memref<32x8x128xf32, #tpu.memory_space<hbm>>
        tpu.wait_dma2 semaphore(%arg13 : memref<!tpu.dma_semaphore, #tpu.memory_space<semaphore_mem>>) src(%arg7 : memref<32x8x128xf32, #tpu.memory_space<vmem>>) dst(%dma_wait3A_114 : memref<32x8x128xf32, #tpu.memory_space<hbm>>)
      } else {
      }
      %add3A_53 = arith.constant 0 : i32
      %add3A_54 = arith.addi %mul3A_44, %add3A_53 : i32
      %add3A_55 = arith.constant 1 : i32
      %add3A_56 = arith.addi %add3A_54, %add3A_55 : i32
      %lt3A = arith.constant 50 : i32
      %lt3A_57 = arith.cmpi slt, %add3A_56, %lt3A : i32
      %convert_element_type3A_58 = arith.extui %lt3A_57 : i1 to i32
      %cond3A_59 = arith.constant 0 : i32
      %cond3A_60 = arith.cmpi ne, %convert_element_type3A_58, %cond3A_59 : i32
      scf.if %cond3A_60 {
        %add3A_103 = arith.constant 0 : i32
        %add3A_104 = arith.addi %mul3A_44, %add3A_103 : i32
        %add3A_105 = arith.constant 1 : i32
        %add3A_106 = arith.addi %add3A_104, %add3A_105 : i32
        %add3A_107 = arith.constant 0 : i32
        %add3A_108 = vector.broadcast %add3A_107 : i32 to vector<16xi32>
        %add3A_109 = arith.addi %add3A_108, %iota3A : vector<16xi32>
        %mul3A_110 = arith.constant 50 : i32
        %mul3A_111 = vector.broadcast %mul3A_110 : i32 to vector<16xi32>
        %mul3A_112 = arith.muli %add3A_109, %mul3A_111 : vector<16xi32>
        %add3A_113 = vector.broadcast %add3A_106 : i32 to vector<16xi32>
        %add3A_114 = arith.addi %mul3A_112, %add3A_113 : vector<16xi32>
        %gather3A_115 = tpu.vector_load_idx %arg5[%add3A_114] : memref<1600xi32, #tpu.memory_space<vmem>>[vector<16xi32>], vector<16xi32>,
        %swap3A_116 = arith.constant 0 : index
        %swap3A_117 = tpu.vector_load %arg9[%swap3A_116] {strides = array<i32>} : memref<32xi32, #tpu.memory_space<vmem>>, vector<16xi32>,
        tpu.vector_store %arg9[%swap3A_116], %gather3A_115 {strides = array<i32>} : memref<32xi32, #tpu.memory_space<vmem>>, vector<16xi32>,
        %add3A_118 = arith.constant 16 : i32
        %add3A_119 = vector.broadcast %add3A_118 : i32 to vector<16xi32>
        %add3A_120 = arith.addi %add3A_119, %iota3A : vector<16xi32>
        %mul3A_121 = arith.constant 50 : i32
        %mul3A_122 = vector.broadcast %mul3A_121 : i32 to vector<16xi32>
        %mul3A_123 = arith.muli %add3A_120, %mul3A_122 : vector<16xi32>
        %add3A_124 = vector.broadcast %add3A_106 : i32 to vector<16xi32>
        %add3A_125 = arith.addi %mul3A_123, %add3A_124 : vector<16xi32>
        %gather3A_126 = tpu.vector_load_idx %arg5[%add3A_125] : memref<1600xi32, #tpu.memory_space<vmem>>[vector<16xi32>], vector<16xi32>,
        %swap3A_127 = arith.constant 16 : index
        %swap3A_128 = tpu.vector_load %arg9[%swap3A_127] {strides = array<i32>} : memref<32xi32, #tpu.memory_space<vmem>>, vector<16xi32>,
        tpu.vector_store %arg9[%swap3A_127], %gather3A_126 {strides = array<i32>} : memref<32xi32, #tpu.memory_space<vmem>>, vector<16xi32>,
        %dma_start3A_129 = arith.constant 0 : i32
        %dma_start3A_130 = arith.constant 0 : i32
        %dma_start3A_131 = arith.constant 0 : i32
        %dma_start3A_132 = tpu.memref_slice %arg3[%dma_start3A_129, %dma_start3A_130, %dma_start3A_131] : memref<1000x8x128xf32, #tpu.memory_space<hbm>> -> memref<1000x8x128xf32, #tpu.memory_space<hbm>>
        tpu.enqueue_indirect_dma source(%dma_start3A_132 : memref<1000x8x128xf32, #tpu.memory_space<hbm>>) target(%arg7 : memref<32x8x128xf32, #tpu.memory_space<vmem>>) offsets(%arg9 : memref<32xi32, #tpu.memory_space<vmem>>) semaphore(%arg11 : memref<!tpu.dma_semaphore, #tpu.memory_space<semaphore_mem>>)
      } else {
      }
      %add3A_61 = arith.constant 0 : i32
      %add3A_62 = arith.addi %mul3A_44, %add3A_61 : i32
      %mul3A_63 = arith.constant 1024 : i32
      %mul3A_64 = arith.muli %add3A_62, %mul3A_63 : i32
      %add3A_65 = arith.addi %mul3A_64, %mul3A_2 : i32
      %dma_start3A_66 = arith.constant 0 : i32
      %dma_start3A_67 = arith.constant 0 : i32
      %dma_start3A_68 = tpu.memref_slice %arg4[%add3A_65, %dma_start3A_66, %dma_start3A_67] : memref<51200x8x128xf32, #tpu.memory_space<hbm>> -> memref<32x8x128xf32, #tpu.memory_space<hbm>>
      %dma_start3A_69 = arith.constant 0 : i32
      %dma_start3A_70 = arith.constant 0 : i32
      %dma_start3A_71 = tpu.memref_slice %arg4[%add3A_65, %dma_start3A_69, %dma_start3A_70] : memref<51200x8x128xf32, #tpu.memory_space<hbm>> -> memref<32x8x128xf32, #tpu.memory_space<hbm>>
      tpu.enqueue_dma source(%arg6 : memref<32x8x128xf32, #tpu.memory_space<vmem>>) target(%dma_start3A_71 : memref<32x8x128xf32, #tpu.memory_space<hbm>>) target_semaphore(%arg12 : memref<!tpu.dma_semaphore, #tpu.memory_space<semaphore_mem>>)
      %dma_wait3A_72 = arith.constant 0 : i32
      %dma_wait3A_73 = arith.constant 0 : i32
      %dma_wait3A_74 = arith.constant 0 : i32
      %dma_wait3A_75 = tpu.memref_slice %arg3[%dma_wait3A_72, %dma_wait3A_73, %dma_wait3A_74] : memref<1000x8x128xf32, #tpu.memory_space<hbm>> -> memref<1000x8x128xf32, #tpu.memory_space<hbm>>
      tpu.wait_indirect_dma semaphore(%arg11 : memref<!tpu.dma_semaphore, #tpu.memory_space<semaphore_mem>>) src(%dma_wait3A_75 : memref<1000x8x128xf32, #tpu.memory_space<hbm>>) dst(%arg7 : memref<32x8x128xf32, #tpu.memory_space<vmem>>)
      %add3A_76 = arith.constant 1 : i32
      %add3A_77 = arith.addi %mul3A_44, %add3A_76 : i32
      %ge3A_78 = arith.constant 1 : i32
      %ge3A_79 = arith.cmpi sge, %add3A_77, %ge3A_78 : i32
      %convert_element_type3A_80 = arith.extui %ge3A_79 : i1 to i32
      %cond3A_81 = arith.constant 0 : i32
      %cond3A_82 = arith.cmpi ne, %convert_element_type3A_80, %cond3A_81 : i32
      scf.if %cond3A_82 {
        %add3A_103 = arith.constant 1 : i32
        %add3A_104 = arith.addi %mul3A_44, %add3A_103 : i32
        %sub3A = arith.constant 1 : i32
        %sub3A_105 = arith.subi %add3A_104, %sub3A : i32
        %mul3A_106 = arith.constant 1024 : i32
        %mul3A_107 = arith.muli %sub3A_105, %mul3A_106 : i32
        %add3A_108 = arith.addi %mul3A_107, %mul3A_2 : i32
        %dma_wait3A_109 = arith.constant 0 : i32
        %dma_wait3A_110 = arith.constant 0 : i32
        %dma_wait3A_111 = tpu.memref_slice %arg4[%add3A_108, %dma_wait3A_109, %dma_wait3A_110] : memref<51200x8x128xf32, #tpu.memory_space<hbm>> -> memref<32x8x128xf32, #tpu.memory_space<hbm>>
        %dma_wait3A_112 = arith.constant 0 : i32
        %dma_wait3A_113 = arith.constant 0 : i32
        %dma_wait3A_114 = tpu.memref_slice %arg4[%add3A_108, %dma_wait3A_112, %dma_wait3A_113] : memref<51200x8x128xf32, #tpu.memory_space<hbm>> -> memref<32x8x128xf32, #tpu.memory_space<hbm>>
        tpu.wait_dma2 semaphore(%arg12 : memref<!tpu.dma_semaphore, #tpu.memory_space<semaphore_mem>>) src(%arg6 : memref<32x8x128xf32, #tpu.memory_space<vmem>>) dst(%dma_wait3A_114 : memref<32x8x128xf32, #tpu.memory_space<hbm>>)
      } else {
      }
      %add3A_83 = arith.constant 1 : i32
      %add3A_84 = arith.addi %mul3A_44, %add3A_83 : i32
      %add3A_85 = arith.constant 1 : i32
      %add3A_86 = arith.addi %add3A_84, %add3A_85 : i32
      %lt3A_87 = arith.constant 50 : i32
      %lt3A_88 = arith.cmpi slt, %add3A_86, %lt3A_87 : i32
      %convert_element_type3A_89 = arith.extui %lt3A_88 : i1 to i32
      %cond3A_90 = arith.constant 0 : i32
      %cond3A_91 = arith.cmpi ne, %convert_element_type3A_89, %cond3A_90 : i32
      scf.if %cond3A_91 {
        %add3A_103 = arith.constant 1 : i32
        %add3A_104 = arith.addi %mul3A_44, %add3A_103 : i32
        %add3A_105 = arith.constant 1 : i32
        %add3A_106 = arith.addi %add3A_104, %add3A_105 : i32
        %add3A_107 = arith.constant 0 : i32
        %add3A_108 = vector.broadcast %add3A_107 : i32 to vector<16xi32>
        %add3A_109 = arith.addi %add3A_108, %iota3A : vector<16xi32>
        %mul3A_110 = arith.constant 50 : i32
        %mul3A_111 = vector.broadcast %mul3A_110 : i32 to vector<16xi32>
        %mul3A_112 = arith.muli %add3A_109, %mul3A_111 : vector<16xi32>
        %add3A_113 = vector.broadcast %add3A_106 : i32 to vector<16xi32>
        %add3A_114 = arith.addi %mul3A_112, %add3A_113 : vector<16xi32>
        %gather3A_115 = tpu.vector_load_idx %arg5[%add3A_114] : memref<1600xi32, #tpu.memory_space<vmem>>[vector<16xi32>], vector<16xi32>,
        %swap3A_116 = arith.constant 0 : index
        %swap3A_117 = tpu.vector_load %arg8[%swap3A_116] {strides = array<i32>} : memref<32xi32, #tpu.memory_space<vmem>>, vector<16xi32>,
        tpu.vector_store %arg8[%swap3A_116], %gather3A_115 {strides = array<i32>} : memref<32xi32, #tpu.memory_space<vmem>>, vector<16xi32>,
        %add3A_118 = arith.constant 16 : i32
        %add3A_119 = vector.broadcast %add3A_118 : i32 to vector<16xi32>
        %add3A_120 = arith.addi %add3A_119, %iota3A : vector<16xi32>
        %mul3A_121 = arith.constant 50 : i32
        %mul3A_122 = vector.broadcast %mul3A_121 : i32 to vector<16xi32>
        %mul3A_123 = arith.muli %add3A_120, %mul3A_122 : vector<16xi32>
        %add3A_124 = vector.broadcast %add3A_106 : i32 to vector<16xi32>
        %add3A_125 = arith.addi %mul3A_123, %add3A_124 : vector<16xi32>
        %gather3A_126 = tpu.vector_load_idx %arg5[%add3A_125] : memref<1600xi32, #tpu.memory_space<vmem>>[vector<16xi32>], vector<16xi32>,
        %swap3A_127 = arith.constant 16 : index
        %swap3A_128 = tpu.vector_load %arg8[%swap3A_127] {strides = array<i32>} : memref<32xi32, #tpu.memory_space<vmem>>, vector<16xi32>,
        tpu.vector_store %arg8[%swap3A_127], %gather3A_126 {strides = array<i32>} : memref<32xi32, #tpu.memory_space<vmem>>, vector<16xi32>,
        %dma_start3A_129 = arith.constant 0 : i32
        %dma_start3A_130 = arith.constant 0 : i32
        %dma_start3A_131 = arith.constant 0 : i32
        %dma_start3A_132 = tpu.memref_slice %arg3[%dma_start3A_129, %dma_start3A_130, %dma_start3A_131] : memref<1000x8x128xf32, #tpu.memory_space<hbm>> -> memref<1000x8x128xf32, #tpu.memory_space<hbm>>
        tpu.enqueue_indirect_dma source(%dma_start3A_132 : memref<1000x8x128xf32, #tpu.memory_space<hbm>>) target(%arg6 : memref<32x8x128xf32, #tpu.memory_space<vmem>>) offsets(%arg8 : memref<32xi32, #tpu.memory_space<vmem>>) semaphore(%arg10 : memref<!tpu.dma_semaphore, #tpu.memory_space<semaphore_mem>>)
      } else {
      }
      %add3A_92 = arith.constant 1 : i32
      %add3A_93 = arith.addi %mul3A_44, %add3A_92 : i32
      %mul3A_94 = arith.constant 1024 : i32
      %mul3A_95 = arith.muli %add3A_93, %mul3A_94 : i32
      %add3A_96 = arith.addi %mul3A_95, %mul3A_2 : i32
      %dma_start3A_97 = arith.constant 0 : i32
      %dma_start3A_98 = arith.constant 0 : i32
      %dma_start3A_99 = tpu.memref_slice %arg4[%add3A_96, %dma_start3A_97, %dma_start3A_98] : memref<51200x8x128xf32, #tpu.memory_space<hbm>> -> memref<32x8x128xf32, #tpu.memory_space<hbm>>
      %dma_start3A_100 = arith.constant 0 : i32
      %dma_start3A_101 = arith.constant 0 : i32
      %dma_start3A_102 = tpu.memref_slice %arg4[%add3A_96, %dma_start3A_100, %dma_start3A_101] : memref<51200x8x128xf32, #tpu.memory_space<hbm>> -> memref<32x8x128xf32, #tpu.memory_space<hbm>>
      tpu.enqueue_dma source(%arg7 : memref<32x8x128xf32, #tpu.memory_space<vmem>>) target(%dma_start3A_102 : memref<32x8x128xf32, #tpu.memory_space<hbm>>) target_semaphore(%arg13 : memref<!tpu.dma_semaphore, #tpu.memory_space<semaphore_mem>>)
    }
    %scan3A_34 = arith.constant 25 : i32
    %add3A_35 = arith.constant 50176 : i32
    %add3A_36 = arith.addi %add3A_35, %mul3A_2 : i32
    %dma_wait3A = arith.constant 0 : i32
    %dma_wait3A_37 = arith.constant 0 : i32
    %dma_wait3A_38 = tpu.memref_slice %arg4[%add3A_36, %dma_wait3A, %dma_wait3A_37] : memref<51200x8x128xf32, #tpu.memory_space<hbm>> -> memref<32x8x128xf32, #tpu.memory_space<hbm>>
    %dma_wait3A_39 = arith.constant 0 : i32
    %dma_wait3A_40 = arith.constant 0 : i32
    %dma_wait3A_41 = tpu.memref_slice %arg4[%add3A_36, %dma_wait3A_39, %dma_wait3A_40] : memref<51200x8x128xf32, #tpu.memory_space<hbm>> -> memref<32x8x128xf32, #tpu.memory_space<hbm>>
    tpu.wait_dma2 semaphore(%arg13 : memref<!tpu.dma_semaphore, #tpu.memory_space<semaphore_mem>>) src(%arg7 : memref<32x8x128xf32, #tpu.memory_space<vmem>>) dst(%dma_wait3A_41 : memref<32x8x128xf32, #tpu.memory_space<hbm>>)
    return
  }
}

module attributes {stable_mosaic.version = 14 : i64} {
  func.func @_transpose_body(%arg0: i32, %arg1: memref<1024x8x128xf32, #tpu.memory_space<vmem>>, %arg2: memref<1x1000x1024xf32, #tpu.memory_space<vmem>>) attributes {dimension_semantics = [#tpu.dimension_semantics<arbitrary>], iteration_bounds = array<i64: 50>, scalar_prefetch = 0 : i64, scratch_operands = 0 : i64, tpu.core_type = #tpu.core_type<tc>, window_params = [{transform_indices = @transform_0, window_bounds = array<i64: 1024, 8, 128>}, {transform_indices = @transform_1, window_bounds = array<i64: 1, 1000, 1024>}]} {
    %get3A = arith.constant 0 : index
    %get3A_0 = arith.constant 0 : index
    %get3A_1 = arith.constant 0 : index
    %get3A_2 = vector.load %arg1[%get3A, %get3A_0, %get3A_1] : memref<1024x8x128xf32, #tpu.memory_space<vmem>>, vector<1024x8x128xf32>
    %reshape3A = vector.shape_cast %get3A_2 : vector<1024x8x128xf32> to vector<1024x1024xf32>
    %transpose3A = tpu.transpose %reshape3A, [1, 0] : vector<1024x1024xf32> -> vector<1024x1024xf32>
    %slice3A = vector.extract_strided_slice %transpose3A {offsets = [0, 0], sizes = [1000, 1024], strides = [1, 1]} : vector<1024x1024xf32> to vector<1000x1024xf32>
    %broadcast_in_dim3A = vector.shape_cast %slice3A : vector<1000x1024xf32> to vector<1x1000x1024xf32>
    %swap3A = arith.constant 0 : index
    %swap3A_3 = arith.constant 0 : index
    %swap3A_4 = arith.constant 0 : index
    %swap3A_5 = vector.load %arg2[%swap3A, %swap3A_3, %swap3A_4] : memref<1x1000x1024xf32, #tpu.memory_space<vmem>>, vector<1x1000x1024xf32>
    tpu.vector_store %arg2[%swap3A, %swap3A_3, %swap3A_4], %broadcast_in_dim3A {strides = array<i32>} : memref<1x1000x1024xf32, #tpu.memory_space<vmem>>, vector<1x1000x1024xf32>,
    return
  }
  func.func @transform_0(%arg0: i32) -> (i32, i32, i32) {
    %c0_i32 = arith.constant 0 : i32
    %c0_i32_0 = arith.constant 0 : i32
    %c0_i32_1 = arith.constant 0 : i32
    return %arg0, %c0_i32, %c0_i32_0 : i32, i32, i32
  }
  func.func @transform_1(%arg0: i32) -> (i32, i32, i32) {
    %c0_i32 = arith.constant 0 : i32
    %c0_i32_0 = arith.constant 0 : i32
    %c0_i32_1 = arith.constant 0 : i32
    return %arg0, %c0_i32, %c0_i32_0 : i32, i32, i32
  }
}

</mosaic_0001>

<sc_bundles>
// kernel: kernel.4.cloned.1.call-start
scs
__scs_entry_jumppad:
0x0: {  	(pc) =	sbr.rel $0x88, $3  }
0x1: {  	(tag) =	ssettag $0x0;
	lr =	simm.s32 $0x1  }
0x2: {  	[smem:$0x3F9F] =	sst lr;
	_ =	strace $0xD0000000  }
0x3: {  	_ = 	snop  }
0x4: {  	_ = 	snop  }
0x5: {  	_ = 	snop  }
0x6: {  	_ = 	snop  }
0x7: {  	_ = 	snop  }
__scs_overlays_trampoline_lowered:
0x8: {  	[smem:$0x3FAE] =	sst s0  }
0x9: {  	[smem:$0x3FAF] =	sst s1  }
0xa: {  	[smem:$0x3FB0] =	sst s2  }
0xb: {  	[smem:$0x3FB1] =	sst s3  }
0xc: {  	[smem:$0x3FB2] =	sst s4  }
0xd: {  	[smem:$0x3FB3] =	sst s5  }
0xe: {  	[smem:$0x3FB4] =	sst s6  }
0xf: {  	[smem:$0x3FB5] =	sst s7  }
0x10: {  	[smem:$0x3FB6] =	sst s8  }
0x11: {  	[smem:$0x3FB7] =	sst s9;
	s0 =	simm.s32 @!p0 $0x0  }
0x12: {  	s1 =	sld [smem:$0x3F9D];
	s0 =	simm.s32 @p0 $0x1  }
0x13: {  	[smem:$0x3FB8] =	sst s0;
	s0 =	simm.s32 @!p1 $0x0  }
0x14: {  	s2 =	sld [smem:$0x3F9C];
	s0 =	simm.s32 @p1 $0x1  }
0x15: {  	[smem:$0x3FB9] =	sst s0;
	s0 =	simm.s32 @!p2 $0x0  }
0x16: {  	s3 =	sld [smem:$0x3FDB];
	s0 =	simm.s32 @p2 $0x1  }
0x17: {  	s4 =	simm.s32 $0x1BF5;
	[smem:$0x3FBB] =	sst s0  }
0x18: {  	s0 =	sld [smem:$0x3F9E];
	_ =	swait.ge [sflag:s4], $0x0  }
0x19: {  	s7 =	sld [smem:$0x3F9F]  }
0x1a: {  	s8 =	sadd.s32 $0xFFFFE003, lr  }
0x1b: {  	s9 =	sadd.s32 $0xFFFFFEF7, lr;
	s5 =	simm.s32 $0xFFFFFFFF;
	p2 =	slt.u32 s8, $0xFFFFF086  }
0x1c: {  	p1 =	slt.u32 s9, $0xF7A;
	s5 =	simm.s32 @!p2 $0x0  }
0x1d: {  	s5 =	simm.s32 @p1 $0x1;
	p0 =	seq.s32 s7, s2  }
0x1e: {  	s7 =	smul.u32 @!p0 $0xF7A, s2;
	p2 =	seq.s32 @!p0 s5, $0x0  }
0x1f: {  	s9 =	smul.u32 $0xF7A, s1;
	s8 =	simm.s32 @!p0 $0x1BF5;
	p2 =	por !p2, p0  }
0x20: {  	[sflag:s8] =	ssyncset.s32 @!p0 $0xFFFFF086;
	s6 =	sadd.s32 @!p0 s3, s7;
	s7 =	simm.s32 @!p0 $0x108  }
0x21: {  	s3 =	sadd.s32 s3, s9;
	s6 =	sadd.s32 @!p0 $0x88, s6;
	s7 =	simm.s32 @p2 $0x1082  }
0x22: {  	[simem:s7], [sflag:s8] =	dma.local @!p0 [hbm:s6], $0xF7A  }
0x23: {  	s9 =	sor.u32 $0xD0000000, s2;
	s6 =	simm.s32 $0x108;
	_ =	swait.ge @!p0 [sflag:s8], $0x0  }
0x24: {  	s3 =	sadd.s32 $0x88, s3;
	s6 =	simm.s32 @!p1 $0x1082;
	[sflag:s4] =	ssyncset.s32 $0xFFFFF086  }
0x25: {  	[simem:s6], [sflag:s4] =	dma.local [hbm:s3], $0xF7A  }
0x26: {  	[smem:$0x3F9F] =	sst s1;
	(tag) =	ssettag s2;
	_ =	strace s9  }
0x27: {  	s1 =	sld [smem:$0x3FAF]  }
0x28: {  	s2 =	sld [smem:$0x3FB0]  }
0x29: {  	s4 =	sld [smem:$0x3FB2]  }
0x2a: {  	p0 =	seq.s32 s5, $0x0;
	s5 =	sld [smem:$0x3FB3]  }
0x2b: {  	s6 =	sld [smem:$0x3FB4]  }
0x2c: {  	s7 =	sld [smem:$0x3FB5]  }
0x2d: {  	s3 =	simm.s32 $0x108;
	s8 =	sld [smem:$0x3FB6]  }
0x2e: {  	s3 =	simm.s32 @!p0 $0x1082;
	s9 =	sld [smem:$0x3FB7]  }
0x2f: {  	lr =	sadd.s32 s0, s3;
	s0 =	sld [smem:$0x3FAE]  }
0x30: {  	s3 =	sld [smem:$0x3FB1]  }
0x31: {  	[smem:$0x3FBA] =	sst s10  }
0x32: {  	s10 =	sld [smem:$0x3FB8];
	_ =	sdelay $0x3  }
0x33: {  	p0 =	seq.s32 s10, $0x1;
	s10 =	sld [smem:$0x3FBA];
	_ =	sdelay $0x3  }
0x34: {  	[smem:$0x3FBA] =	sst s10  }
0x35: {  	s10 =	sld [smem:$0x3FB9];
	_ =	sdelay $0x3  }
0x36: {  	p1 =	seq.s32 s10, $0x1;
	s10 =	sld [smem:$0x3FBA];
	_ =	sdelay $0x3  }
0x37: {  	[smem:$0x3FBA] =	sst s10  }
0x38: {  	s10 =	sld [smem:$0x3FBB]  }
0x39: {  	_ = 	snop;
	(pc) =	sbr.ind lr, $3  }
0x3a: {  	_ = 	snop  }
0x3b: {  	_ = 	snop  }
0x3c: {  	p2 =	seq.s32 s10, $0x1;
	s10 =	sld [smem:$0x3FBA]  }
0x3d: {  	_ =	shalt  }
0x3e: {  	_ =	shalt  }
0x3f: {  	_ =	shalt  }
0x40: {  	_ =	shalt  }
0x41: {  	_ =	shalt  }
0x42: {  	_ =	shalt  }
0x43: {  	_ =	shalt  }
0x44: {  	_ =	shalt  }
0x45: {  	_ =	shalt  }
0x46: {  	_ =	shalt  }
0x47: {  	_ =	shalt  }
0x48: {  	_ =	shalt  }
0x49: {  	_ =	shalt  }
0x4a: {  	_ =	shalt  }
0x4b: {  	_ =	shalt  }
0x4c: {  	_ =	shalt  }
0x4d: {  	_ =	shalt  }
0x4e: {  	_ =	shalt  }
0x4f: {  	_ =	shalt  }
0x50: {  	_ =	shalt  }
0x51: {  	_ =	shalt  }
0x52: {  	_ =	shalt  }
0x53: {  	_ =	shalt  }
0x54: {  	_ =	shalt  }
0x55: {  	_ =	shalt  }
0x56: {  	_ =	shalt  }
0x57: {  	_ =	shalt  }
0x58: {  	_ =	shalt  }
0x59: {  	_ =	shalt  }
0x5a: {  	_ =	shalt  }
0x5b: {  	_ =	shalt  }
0x5c: {  	_ =	shalt  }
0x5d: {  	_ =	shalt  }
0x5e: {  	_ =	shalt  }
0x5f: {  	_ =	shalt  }
0x60: {  	_ =	shalt  }
0x61: {  	_ =	shalt  }
0x62: {  	_ =	shalt  }
0x63: {  	_ =	shalt  }
0x64: {  	_ =	shalt  }
0x65: {  	_ =	shalt  }
0x66: {  	_ =	shalt  }
0x67: {  	_ =	shalt  }
0x68: {  	_ =	shalt  }
0x69: {  	_ =	shalt  }
0x6a: {  	_ =	shalt  }
0x6b: {  	_ =	shalt  }
0x6c: {  	_ =	shalt  }
0x6d: {  	_ =	shalt  }
0x6e: {  	_ =	shalt  }
0x6f: {  	_ =	shalt  }
0x70: {  	_ =	shalt  }
0x71: {  	_ =	shalt  }
0x72: {  	_ =	shalt  }
0x73: {  	_ =	shalt  }
0x74: {  	_ =	shalt  }
0x75: {  	_ =	shalt  }
0x76: {  	_ =	shalt  }
0x77: {  	_ =	shalt  }
0x78: {  	_ =	shalt  }
0x79: {  	_ =	shalt  }
0x7a: {  	_ =	shalt  }
0x7b: {  	_ =	shalt  }
0x7c: {  	_ =	shalt  }
0x7d: {  	_ =	shalt  }
0x7e: {  	_ =	shalt  }
0x7f: {  	_ =	shalt  }
0x80: {  	_ =	shalt  }
0x81: {  	_ =	shalt  }
0x82: {  	_ =	shalt  }
0x83: {  	_ =	shalt  }
0x84: {  	_ =	shalt  }
0x85: {  	_ =	shalt  }
0x86: {  	_ =	shalt  }
0x87: {  	_ =	shalt  }
.Lfunc_end0:
.L_simem_size_0:
called_computation_lowered:
.L_overlay_start_0:
0x88: {  	s2 =	sld [smem:$0x3FD9]  }
0x89: {  	s3 =	sld [smem:$0x3FFE];
	_ =	sdelay $0x1  }
0x8a: {  	s1 =	srdreg.scid  }
0x8b: {  	s0 =	sand.u32 $0x1, s1  }
0x8c: {  	s17 =	sshll.u32 s0, $0xA;
	s2 =	sadd.s32 s3, s2  }
0x8d: {  	s2 =	sadd.s32 s2, s17  }
0x8e: {  	[smem:$0x3FC6] =	sst s2  }
0x8f: {  	_ = 	snop  }
0x90: {  	s2 =	sld [smem:$0x3FD0];
	(tm) =	ssettm $0x1  }
0x91: {  	s18 =	sld [smem:$0x3FFB];
	_ =	sdelay $0x3  }
0x92: {  	_ =	strace s18  }
0x93: {  	s3 =	sld [smem:$0x3FFC];
	_ =	sdelay $0x3  }
0x94: {  	_ =	strace s3  }
0x95: {  	s3 =	sld [smem:$0x3FFD];
	_ =	sdelay $0x3  }
0x96: {  	_ =	strace s3  }
0x97: {  	_ =	strace $0x8FFFFFFF  }
0x98: {  	s19 =	sld [smem:$0x3FDB];
	_ =	sdelay $0x1  }
0x99: {  	s4 =	simm.s32 $_scs_section_size  }
0x9a: {  	s5 =	simm.s32 $_size__tile_overlayer_lowered;
	s6 =	simm.s32 $_tile_overlayer_lowered  }
0x9b: {  	s22 =	simm.s32 $0x1BFF;
	s21 =	sshll.u32 s6, $0x1;
	s3 =	sadd.s32 s4, s19  }
0x9c: {  	s7 =	simm.s32 $0x0;
	s20 =	sshll.u32 s5, $0x1;
	s5 =	sadd.s32 s21, s3  }
0x9d: {  	[timem:s7], [sflag:s22] =	dma.local [hbm:s5], s20  }
0x9e: {  	_ =	swait.ge [sflag:s22], s20  }
0x9f: {  	s4 =	ssub.s32 $0x0, s20;
	[sflag:s22] =	ssyncset.done $0x0  }
0xa0: {  	[sflag:s22] =	ssyncadd.s32 s4;
	_ =	sdelay $0x1  }
0xa1: {  	s23 =	simm.s32 $0x1B8B  }
0xa2: {  	_ =	swait.ge [sflag:s23], $0x1  }
0xa3: {  	[sflag:s23] =	ssyncset.done $0x0  }
0xa4: {  	s25 =	simm.s32 $0x1B8E;
	s24 =	sld [smem:$0x3FFE];
	[sflag:s23] =	ssyncadd.s32 $0xFFFFFFFF  }
0xa5: {  	s26 =	simm.s32 $execute0_lowered;
	[smem:$0x3FD2] =	sst s25  }
0xa6: {  	s5 =	sshll.u32 s26, $0x1;
	_ =	strace $0x80000046;
	[dreg:$0x1] =	wrdreg $0xFFFFFFFF  }
0xa7: {  	s28 =	simm.s32 $_size_execute0_lowered;
	s3 =	sadd.s32 s3, s5;
	[dreg:$0x0] =	wrdreg $0x0  }
0xa8: {  	s5 =	sshll.u32 s28, $0x1;
	[dreg:$0x2] =	wrdreg s3  }
0xa9: {  	[dreg:$0x3] =	wrdreg s5  }
0xaa: {  	[dreg:$0x4] =	wrdreg $0xC0  }
0xab: {  	_ =	task [dreg:s7], $0x5FFFF  }
0xac: {  	[dreg:$0x1] =	wrdreg $0xFFFFFFFF  }
0xad: {  	[dreg:$0x0] =	wrdreg $0x60  }
0xae: {  	[dreg:$0x2] =	wrdreg s24  }
0xaf: {  	[dreg:$0x3] =	wrdreg s2  }
0xb0: {  	[dreg:$0x4] =	wrdreg $0x9  }
0xb1: {  	_ =	task.clear_ibuf [dreg:s7], $0x5FFFF;
	_ =	strace $0x90000046  }
0xb2: {  	s29 =	simm.s32 $0x9;
	_ =	strace $0x80000048  }
0xb3: {  	_ =	swait.ge [sflag:s29], $0x1  }
0xb4: {  	[sflag:s29] =	ssyncadd.s32 $0xFFFFFFFF  }
0xb5: {  	_ =	strace $0x90000048  }
0xb6: {  	_ =	sfence  }
0xb7: {  	s30 =	sld [smem:$0x0];
	_ =	sdelay $0x2  }
0xb8: {  	s31 =	sshll.u32 s1, $0xD;
	s1 =	sshrl.u32 s1, $0x2  }
0xb9: {  	s3 =	sand.u32 $0x4000, s31;
	s1 =	sadd.s32 s1, s30  }
0xba: {  	s0 =	sor.u32 s3, s0;
	s1 =	sshll.u32 s1, $0x11  }
0xbb: {  	s0 =	sor.u32 s1, s0  }
0xbc: {  	s0 =	sadd.s32 $0x8F2B, s0  }
0xbd: {  	[sflag:s0] =	ssyncadd.remote.s32 $0x1  }
0xbe: {  	_ =	sfence.sel $0xFFFF  }
0xbf: {  	[dreg:$0x0] =	wrdreg $0xFFFFFFFF;
	(pc) =	sbr.abs _section_cstart, $3  }
0xc0: {  	[dreg:$0x1] =	wrdreg $0xFFFFFFFF  }
0xc1: {  	_ =	task.clear_ibuf [dreg:s7], $0x2FFFF;
	_ =	strace $0x9FFFFFFF  }
0xc2: {  	(tm) =	ssettm $0x7FFFFFFF  }
0xc3: {  	_ =	shalt  }
tec
execute0_lowered:
.L_overlay_start_1:
0x0: {  	(tag) =	ssettag $0x1  }
0x1: {  	s4 =	rddreg [dreg:$0x0];
	s1 =	srdreg.scid  }
0x2: {  	s0 =	stileid.u32;
	s2 =	rddreg [dreg:$0x1]  }
0x3: {  	s3 =	simm.s32 $0x0;
	s10 =	simm.s32 $0x680;
	s11 =	simm.s32 $0x1  }
0x4: {  	s12 =	simm.s32 $0x10700;
	s13 =	simm.s32 $0x8680;
	s14 =	simm.s32 $0x2  }
0x5: {  	s15 =	simm.s32 $0x3;
	s16 =	simm.s32 $0x4;
	s17 =	simm.s32 $0x0  }
0x6: {  	s5 =	sand.u32 $0x1, s1;
	s6 =	sshll.u32 s0, $0x1;
	s1 =	rddreg [dreg:$0x2]  }
0x7: {  	[smem:$0x7FF] =	sst s3;
	s8 =	sshll.u32 s0, $0xD;
	s6 =	sor.u32 s5, s6  }
0x8: {  	_ =	strace $0x80000047;
	s7 =	ssub.s32 $0x2, s5;
	s8 =	sadd.s32 s8, s4  }
0x9: {  	v0 =	vlaneseq.u32;
	s30 =	sshll.u32 s5, $0xC;
	s6 =	smul.u32 $0xC8, s6;
	s9 =	sshrl.u32 s7, $0x1  }
0xa: {  	v0 =	vmul.u32 $0x32, v0;
	s31 =	sadd.s32 s30, s8;
	s8 =	simm.s32 $0x20;
	s7 =	ssub.s32 s7, s9  }
0xb: {  	s9 =	simm.s32 $0x10680;
	s6 =	sadd.s32 s6, s4;
	s5 =	smax.u32 s7, $0x1  }
0xc: {  	v1 =	vadd.s32 $0x320, v0;
	s7 =	simm.s32 $0x5;
	s4 =	sadd.s32 $0x400, s6;
	s6 =	sadd.s32 $0x1E00, s31  }
.LBB2_1:
0xd: {  	[tilespmem:s3], [sflag:$0x5] =	stream.linear.gather [hbm4b:s4+s3], $0x640, $0x38;
	[tilespmem:$0x10780] =	vst v63  }
0xe: {  	_ =	swait.ge [sflag:s7], $0x640  }
0xf: {  	[sflag:s7] =	ssyncset.done $0x0  }
0x10: {  	[sflag:s7] =	ssyncadd.s32 $0xFFFFF9C0  }
0x11: {  	v2 =	vld.idx.msk [tilespmem:v0+s3+$0x0], $0xffff;
	_ =	sdelay $0x4  }
0x12: {  	[tilespmem:$0x10680] =	vst v2  }
0x13: {  	v2 =	vld.idx.msk [tilespmem:v1+s3+$0x0], $0xffff;
	_ =	sdelay $0x4  }
0x14: {  	[tilespmem:$0x10690] =	vst v2  }
0x15: {  	[tilespmem:s10], [sflag:$0x1] =	stream.indirect.gather [hbm4b:s2+s8], $0x400, s9, s8, $0xb8;
	[tilespmem:$0x10780] =	vst v63  }
0x16: {  	s18 =	simm.s32 $0x1;
	_ =	swait.ge [sflag:s11], $0x8000  }
0x17: {  	p0 =	por $0x1, $0x1;
	v2 =	vadd.s32 s18, v0;
	[sflag:s11] =	ssyncset.done $0x0  }
0x18: {  	s19 =	simm.s32 @!p0 $0x4;
	[sflag:s11] =	ssyncadd.s32 $0xFFFF8000  }
0x19: {  	_ =	swait.ge @!p0 [sflag:s19], $0x8000  }
0x1a: {  	[sflag:s19] =	ssyncset.done @!p0 $0x0  }
0x1b: {  	[sflag:s19] =	ssyncadd.s32 @!p0 $0xFFFF8000  }
0x1c: {  	v2 =	vld.idx.msk [tilespmem:v2+s3+$0x0], $0xffff  }
0x1d: {  	v3 =	vadd.s32 s18, v1;
	_ =	sdelay $0x3  }
0x1e: {  	[tilespmem:$0x10700] =	vst v2  }
0x1f: {  	v2 =	vld.idx.msk [tilespmem:v3+s3+$0x0], $0xffff;
	_ =	sdelay $0x4  }
0x20: {  	p0 =	por $0x0, $0x0;
	[tilespmem:$0x10710] =	vst v2  }
0x21: {  	[tilespmem:s13], [sflag:$0x2] =	stream.indirect.gather [hbm4b:s2+s8], $0x400, s12, s8, $0xb8;
	[tilespmem:$0x10780] =	vst v63  }
0x22: {  	v2 =	vlaneseq.u32 @!p0  }
0x23: {  	v2 =	vmul.u32 @!p0 $0x32, v2;
	[hbm4b:s6+s3] =	stream.linear.scatter [tilespmem:s10], [sflag:$0x3], $0x8000, $0x38;
	[tilespmem:$0x10780] =	vst v63  }
0x24: {  	_ =	swait.ge [sflag:s14], $0x8000  }
0x25: {  	v3 =	vadd.s32 @!p0 s14, v2;
	[sflag:s14] =	ssyncset.done $0x0  }
0x26: {  	[sflag:s14] =	ssyncadd.s32 $0xFFFF8000  }
0x27: {  	_ =	swait.ge [sflag:s15], $0x8000  }
0x28: {  	[sflag:s15] =	ssyncset.done $0x0  }
0x29: {  	s18 =	simm.s32 @!p0 $0x0;
	[sflag:s15] =	ssyncadd.s32 $0xFFFF8000  }
0x2a: {  	v2 =	vadd.s32 @!p0 $0x320, v2;
	v3 =	vld.idx.msk @!p0 [tilespmem:v3+s18+$0x0], $0xffff  }
0x2b: {  	v2 =	vadd.s32 @!p0 s14, v2;
	_ =	sdelay $0x3  }
0x2c: {  	[tilespmem:$0x10680] =	vst @!p0 v3  }
0x2d: {  	v2 =	vld.idx.msk @!p0 [tilespmem:v2+s18+$0x0], $0xffff;
	_ =	sdelay $0x4  }
0x2e: {  	s19 =	simm.s32 @!p0 $0x10680;
	s20 =	simm.s32 @!p0 $0x680;
	s18 =	simm.s32 @!p0 $0x20;
	[tilespmem:$0x10690] =	vst @!p0 v2  }
0x2f: {  	[tilespmem:s20], [sflag:$0x1] =	stream.indirect.gather @!p0 [hbm4b:s2+s18], $0x400, s19, s18, $0xb8;
	[tilespmem:$0x10780] =	vst v63  }
0x30: {  	s18 =	simm.s32 $0x4;
	s20 =	sadd.s32 $0x20000, s6;
	s19 =	sadd.s32 $0x40000, s6  }
.LBB2_2:
0x31: {  	[hbm4b:s20+s3] =	stream.linear.scatter [tilespmem:s13], [sflag:$0x4], $0x8000, $0x38;
	[tilespmem:$0x10780] =	vst v63  }
0x32: {  	s20 =	smov.u32 s18  }
0x33: {  	s18 =	sadd.s32 $0x2, s18;
	_ =	swait.ge [sflag:s11], $0x8000;
	s21 =	sadd.s32 $0xFFFFFFFF, s20  }
0x34: {  	p1 =	seq.s32 s20, $0x2;
	p0 =	sne.s32 s18, $0x34;
	[sflag:s11] =	ssyncset.done $0x0;
	v2 =	vadd.s32 s21, v0  }
0x35: {  	s22 =	simm.s32 @!p1 $0x4;
	[sflag:s11] =	ssyncadd.s32 $0xFFFF8000  }
0x36: {  	_ =	swait.ge @!p1 [sflag:s22], $0x8000  }
0x37: {  	[sflag:s22] =	ssyncset.done @!p1 $0x0  }
0x38: {  	[sflag:s22] =	ssyncadd.s32 @!p1 $0xFFFF8000  }
0x39: {  	v2 =	vld.idx.msk [tilespmem:v2+s3+$0x0], $0xffff;
	_ =	sdelay $0x1  }
0x3a: {  	v3 =	vadd.s32 s21, v1;
	_ =	sdelay $0x3  }
0x3b: {  	[tilespmem:$0x10700] =	vst v2  }
0x3c: {  	v2 =	vld.idx.msk [tilespmem:v3+s3+$0x0], $0xffff;
	_ =	sdelay $0x5  }
0x3d: {  	p1 =	seq.s32 s20, $0x32;
	[tilespmem:$0x10710] =	vst v2  }
0x3e: {  	v2 =	vlaneseq.u32 @!p1;
	[tilespmem:s13], [sflag:$0x2] =	stream.indirect.gather [hbm4b:s2+s8], $0x400, s12, s8, $0xb8;
	[tilespmem:$0x10780] =	vst v63  }
0x3f: {  	v2 =	vmul.u32 @!p1 $0x32, v2  }
0x40: {  	[hbm4b:s19+s3] =	stream.linear.scatter [tilespmem:s10], [sflag:$0x3], $0x8000, $0x38;
	[tilespmem:$0x10780] =	vst v63  }
0x41: {  	v3 =	vadd.s32 @!p1 s20, v2;
	v2 =	vadd.s32 @!p1 $0x320, v2;
	_ =	swait.ge [sflag:s14], $0x8000  }
0x42: {  	v2 =	vadd.s32 @!p1 s20, v2;
	[sflag:s14] =	ssyncset.done $0x0  }
0x43: {  	[sflag:s14] =	ssyncadd.s32 $0xFFFF8000  }
0x44: {  	_ =	swait.ge [sflag:s15], $0x8000  }
0x45: {  	[sflag:s15] =	ssyncset.done $0x0  }
0x46: {  	s20 =	simm.s32 @!p1 $0x0;
	[sflag:s15] =	ssyncadd.s32 $0xFFFF8000  }
0x47: {  	v3 =	vld.idx.msk @!p1 [tilespmem:v3+s20+$0x0], $0xffff;
	_ =	sdelay $0x5  }
0x48: {  	[tilespmem:$0x10680] =	vst @!p1 v3  }
0x49: {  	v2 =	vld.idx.msk @!p1 [tilespmem:v2+s20+$0x0], $0xffff;
	_ =	sdelay $0x3  }
.Ltmp0:
0x4a: {  	(pc) =	sbr.rel @p0 .LBB2_2-.Ltmp0, $4  }
0x4b: {  	_ = 	snop  }
0x4c: {  	s21 =	simm.s32 @!p1 $0x10680;
	s22 =	simm.s32 @!p1 $0x680;
	s20 =	simm.s32 @!p1 $0x20;
	[tilespmem:$0x10690] =	vst @!p1 v2  }
0x4d: {  	[tilespmem:s22], [sflag:$0x1] =	stream.indirect.gather @!p1 [hbm4b:s2+s20], $0x400, s21, s20, $0xb8;
	[tilespmem:$0x10780] =	vst v63  }
0x4e: {  	s20 =	sadd.s32 $0x20000, s19;
	s19 =	sadd.s32 $0x40000, s19  }
0x4f: {  	s17 =	sadd.s32 $0x1, s17  }
0x50: {  	p0 =	sne.s32 s17, s5  }
.Ltmp1:
0x51: {  	_ = 	snop;
	(pc) =	sbr.rel @p0 .LBB2_1-.Ltmp1, $4  }
0x52: {  	[hbm4b:s20+s3] =	stream.linear.scatter [tilespmem:s13], [sflag:$0x4], $0x8000, $0x38;
	[tilespmem:$0x10780] =	vst v63  }
0x53: {  	_ =	swait.ge [sflag:s16], $0x8000  }
0x54: {  	[sflag:s16] =	ssyncset.done $0x0  }
0x55: {  	[sflag:s16] =	ssyncadd.s32 $0xFFFF8000  }
0x56: {  	_ =	sfence.sel $0x180000  }
0x57: {  	[bflag:$0x0] =	sbarrier.arrive $0xFFFF  }
0x58: {  	p0 =	sne.s32 s0, $0x0;
	_ =	strace $0x90000047  }
0x59: {  	s0 =	sadd.s32 @!p0 $0x100000, s1;
	[bflag:$0x2] =	sbarrier.arrive $0xFFFF  }
0x5a: {  	[sflag:s0] =	ssyncadd.tile.s32 @!p0 $0x1;
	_ =	shalt  }
.Lfunc_end2:
_tile_overlayer_lowered:
.L_overlay_start_2:
0x5b: {  	(tag) =	ssettag $0x2  }
0x5c: {  	s0 =	rddreg [dreg:$0x0];
	s2 =	stileid.u32  }
0x5d: {  	s1 =	rddreg [dreg:$0x1];
	p0 =	sne.s32 s2, $0x0  }
0x5e: {  	s3 =	rddreg [dreg:$0x2];
	[bflag:$0x3] =	sbarrier.arrive $0xFFFF;
	s2 =	simm.s32 @!p0 $0x1C05  }
0x5f: {  	[timem:s3], [sflag:s2] =	dma.local @!p0 [hbm:s0], s1  }
0x60: {  	s0 =	simm.s32 @!p0 $0x5  }
0x61: {  	_ =	swait.ge @!p0 [sflag:s0], s1  }
0x62: {  	s1 =	ssub.s32 @!p0 $0x0, s1;
	[sflag:s0] =	ssyncset.done @!p0 $0x0  }
0x63: {  	[sflag:s0] =	ssyncadd.s32 @!p0 s1  }
0x64: {  	[bflag:$0x3] =	sbarrier.arrive $0xFFFF  }
0x65: {  	_ =	shalt  }

</sc_bundles>
